<compile_context>
chip_gen: v7x
topology: tpu7x:2x2x1
jax: 0.10.2.dev20260603
libtpu: 0.0.44.dev20260713+nightly
codegen_flags: <defaults>
</compile_context>

<pallas_src>
import functools

import jax
import jax.numpy as jnp
from jax import lax
from jax.experimental import pallas as pl
from jax.experimental.pallas import tpu as pltpu
from jax.experimental.pallas import tpu_sc as plsc

BSZ, TSZ = 4, 2048
DIM = 1024
NUM_VARS = 320
GROUPS = 2
VAR_DIM = 128

N_ROWS = BSZ * TSZ
GV = GROUPS * NUM_VARS
ROW_TILE = 2048
N_TILES = N_ROWS // ROW_TILE
IDX_SUB = GROUPS * ROW_TILE // 128



def _tc_body(xa_ref, xb_ref, xc_ref, xd_ref, w_ref, b_ref, idx_ref, cnt_ref,
             ps_ref, cp_ref, pp_ref):
  i = pl.program_id(0)

  logits = jnp.concatenate(
      [jnp.dot(xa_ref[...], w_ref[...], preferred_element_type=jnp.float32),
       jnp.dot(xb_ref[...], w_ref[...], preferred_element_type=jnp.float32),
       jnp.dot(xc_ref[...], w_ref[...], preferred_element_type=jnp.float32),
       jnp.dot(xd_ref[...], w_ref[...], preferred_element_type=jnp.float32)],
      axis=0) + b_ref[...][None, :]

  col = lax.broadcasted_iota(jnp.int32, (ROW_TILE, GV), 1)
  in_g0 = col < NUM_VARS
  neg = jnp.float32(-jnp.inf)
  big = jnp.int32(GV)

  m0 = jnp.max(jnp.where(in_g0, logits, neg), axis=1, keepdims=True)
  m1 = jnp.max(jnp.where(in_g0, neg, logits), axis=1, keepdims=True)
  mb = jnp.where(in_g0, m0, m1)

  eq = logits == mb
  cw = jnp.where(eq, col, big)
  k0 = jnp.min(jnp.where(in_g0, cw, big), axis=1, keepdims=True)
  k1 = jnp.min(jnp.where(in_g0, big, cw), axis=1, keepdims=True)

  k0r = jnp.transpose(k0).reshape(ROW_TILE // 128, 128)
  k1r = jnp.transpose(k1).reshape(ROW_TILE // 128, 128)
  idx_ref[0] = jnp.concatenate([k0r, k1r], axis=0)

  e = jnp.exp(logits - mb)
  s0 = jnp.sum(jnp.where(in_g0, e, 0.0), axis=1, keepdims=True)
  s1 = jnp.sum(jnp.where(in_g0, 0.0, e), axis=1, keepdims=True)
  p = e * (1.0 / jnp.where(in_g0, s0, s1))
  ps_tile = jnp.sum(p, axis=0, keepdims=True)

  cnt_tile = jnp.sum(jnp.where(eq, 1.0, 0.0), axis=0, keepdims=True)

  @pl.when(i == 0)
  def _init():
    cnt_ref[...] = cnt_tile
    ps_ref[...] = ps_tile

  @pl.when(i > 0)
  def _acc():
    cnt_ref[...] += cnt_tile
    ps_ref[...] += ps_tile

  @pl.when(i == N_TILES - 1)
  def _finish():
    colf = lax.broadcasted_iota(jnp.int32, (1, GV), 1)
    g0 = colf < NUM_VARS
    inv_n = jnp.float32(1.0 / N_ROWS)

    hp = cnt_ref[...] * inv_n
    ent = hp * jnp.log(hp + 1e-7)
    ce0 = jnp.sum(jnp.where(g0, ent, 0.0), axis=1, keepdims=True)
    ce1 = jnp.sum(jnp.where(g0, 0.0, ent), axis=1, keepdims=True)
    cp_ref[...] = jnp.exp(-ce0) + jnp.exp(-ce1)

    ap = ps_ref[...] * inv_n
    pent = ap * jnp.log(ap + 1e-7)
    pe0 = jnp.sum(jnp.where(g0, pent, 0.0), axis=1, keepdims=True)
    pe1 = jnp.sum(jnp.where(g0, 0.0, pent), axis=1, keepdims=True)
    pp_ref[...] = jnp.exp(-pe0) + jnp.exp(-pe1)


def _tc_call(xf, W, b2):
  return pl.pallas_call(
      _tc_body,
      grid=(N_TILES,),
      in_specs=[
          pl.BlockSpec((ROW_TILE // 4, DIM), lambda i: (4 * i, 0)),
          pl.BlockSpec((ROW_TILE // 4, DIM), lambda i: (4 * i + 1, 0)),
          pl.BlockSpec((ROW_TILE // 4, DIM), lambda i: (4 * i + 2, 0)),
          pl.BlockSpec((ROW_TILE // 4, DIM), lambda i: (4 * i + 3, 0)),
          pl.BlockSpec((DIM, GV), lambda i: (0, 0)),
          pl.BlockSpec((GV,), lambda i: (0,)),
      ],
      out_specs=[
          pl.BlockSpec((1, IDX_SUB, 128), lambda i: (i, 0, 0)),
          pl.BlockSpec((1, GV), lambda i: (0, 0)),
          pl.BlockSpec((1, GV), lambda i: (0, 0)),
          pl.BlockSpec((1, 1), lambda i: (0, 0)),
          pl.BlockSpec((1, 1), lambda i: (0, 0)),
      ],
      out_shape=[
          jax.ShapeDtypeStruct((N_TILES, IDX_SUB, 128), jnp.int32),
          jax.ShapeDtypeStruct((1, GV), jnp.float32),
          jax.ShapeDtypeStruct((1, GV), jnp.float32),
          jax.ShapeDtypeStruct((1, 1), jnp.float32),
          jax.ShapeDtypeStruct((1, 1), jnp.float32),
      ],
  )(xf, xf, xf, xf, W, b2)



_NW = 32
_BPW = GROUPS * N_ROWS // _NW
_CHUNK = 128
_NCH = _BPW // _CHUNK


def _sc_gather_body(table_hbm, idx_hbm, out_hbm, idx_v, rows_v, sem):
  wid = lax.axis_index("s") * 2 + lax.axis_index("c")
  ent0 = wid * _BPW
  tile = ent0 // (GROUPS * ROW_TILE)
  rem = ent0 % (GROUPS * ROW_TILE)
  grp = rem // ROW_TILE
  r0 = rem % ROW_TILE
  pltpu.sync_copy(idx_hbm.at[pl.ds((wid // 2) * 8, 2 * _NCH)], idx_v)
  sub = (wid % 2) * _NCH
  copies = []
  for j in range(_NCH):
    copies.append(
        pltpu.async_copy(table_hbm.at[idx_v.at[sub + j]],
                         rows_v.at[pl.ds(j * _CHUNK, _CHUNK)], sem))
  for c in copies:
    c.wait()
  row_start = pl.multiple_of(tile * ROW_TILE + r0, _BPW)
  pltpu.sync_copy(
      rows_v,
      out_hbm.at[pl.ds(row_start, _BPW), pl.ds(grp * VAR_DIM, VAR_DIM)])


@functools.lru_cache(maxsize=1)
def _make_sc_gather():
  return pl.kernel(
      _sc_gather_body,
      out_type=jax.ShapeDtypeStruct((N_ROWS, GROUPS * VAR_DIM), jnp.float32),
      mesh=plsc.VectorSubcoreMesh(core_axis_name="c", subcore_axis_name="s"),
      scratch_types=[
          pltpu.VMEM((2 * _NCH, _CHUNK), jnp.int32),
          pltpu.VMEM((_BPW, VAR_DIM), jnp.float32),
          pltpu.SemaphoreType.DMA,
      ],
  )




@jax.jit
def kernel(x, W, b, code_vars):
  xf = x.reshape(N_ROWS, DIM)
  b2 = b
  idx, _, _, cperp, pperp = _tc_call(xf, W, b2)

  table = code_vars.reshape(GV, VAR_DIM)
  out2d = _make_sc_gather()(table, idx.reshape(N_TILES * IDX_SUB, 128))
  out = out2d.reshape(BSZ, TSZ, GROUPS * VAR_DIM)
  return out, cperp[0, 0], pperp[0, 0]

# --- scband reference (transcript-rebuilt; emitter-appended) ---
"""Pipeline reference for scband-w2-v2-quantizer-28956669509848 (READ-ONLY COPY).

The authoritative reference and input builder live on the scoring server;
editing this copy changes nothing except your own understanding.
"""

import jax, jax.numpy as jnp
import numpy as np

BSZ, TSZ = 4, 2048
DIM = 1024
NUM_VARS = 320
GROUPS = 2
VQ_DIM = 256
VAR_DIM = VQ_DIM // GROUPS  # 128


def setup_inputs(seed: int = 0) -> dict:
    key = jax.random.key(seed)
    k1, k2, k3 = jax.random.split(key, 3)
    x = jax.random.normal(k1, (BSZ, TSZ, DIM), dtype=jnp.float32)
    # weight_proj: nn.Linear(dim, groups*num_vars), weight ~ N(0,1), bias = 0
    W = jax.random.normal(k2, (DIM, GROUPS * NUM_VARS), dtype=jnp.float32)
    b = jnp.zeros((GROUPS * NUM_VARS,), dtype=jnp.float32)
    # self.vars: (1, num_groups*num_vars, var_dim), uniform init (combine_groups=False)
    code_vars = jax.random.uniform(k3, (1, GROUPS * NUM_VARS, VAR_DIM), dtype=jnp.float32)
    return {"x": x, "W": W, "b": b, "code_vars": code_vars}


def reference(x, W, b, code_vars):
    # Eval-mode forward of W2V2Quantizer (dropout inactive, hard argmax one-hot
    # instead of gumbel-softmax), time_first=True, produce_targets=False.
    bsz, tsz, fsz = x.shape
    xf = x.reshape(-1, fsz)
    logits = xf @ W + b                       # (B*T, G*V)
    lg = logits.reshape(bsz * tsz * GROUPS, -1)
    k = jnp.argmax(lg, axis=-1)
    hard_x = jax.nn.one_hot(k, NUM_VARS, dtype=lg.dtype).reshape(bsz * tsz, GROUPS, NUM_VARS)
    hard_probs = jnp.mean(hard_x.astype(jnp.float32), axis=0)
    code_perplexity = jnp.sum(jnp.exp(-jnp.sum(hard_probs * jnp.log(hard_probs + 1e-7), axis=-1)))
    avg_probs = jnp.mean(jax.nn.softmax(lg.reshape(bsz * tsz, GROUPS, NUM_VARS).astype(jnp.float32), axis=-1), axis=0)
    prob_perplexity = jnp.sum(jnp.exp(-jnp.sum(avg_probs * jnp.log(avg_probs + 1e-7), axis=-1)))
    # quantize: (one_hot selection) * codebook, summed over num_vars per group
    # equivalent math to x.unsqueeze(-1) * vars -> sum over num_vars
    v = code_vars.reshape(GROUPS, NUM_VARS, VAR_DIM)
    out = jnp.einsum('bgv,gvd->bgd', hard_x, v).reshape(bsz, tsz, GROUPS * VAR_DIM)
    return out, code_perplexity, prob_perplexity

if __name__ == "__main__":
    import jax
    _d = setup_inputs()
    print(jax.jit(kernel)(*tuple(_d.values())))

</pallas_src>

<mosaic_0001>
#map = affine_map<(d0, d1) -> (0, 0)>
module attributes {stable_mosaic.version = 14 : i64} {
  func.func @_sc_gather_body(%arg0: i32, %arg1: i32, %arg2: memref<640x128xf32, #tpu.memory_space<hbm>>, %arg3: memref<128x128xi32, #tpu.memory_space<hbm>>, %arg4: memref<8192x256xf32, #tpu.memory_space<hbm>>, %arg5: memref<8x128xi32, #tpu.memory_space<vmem>>, %arg6: memref<512x128xf32, #tpu.memory_space<vmem>>, %arg7: memref<!tpu.dma_semaphore, #tpu.memory_space<semaphore_mem>>) attributes {dimension_semantics = [#tpu.dimension_semantics<core_parallel>, #tpu.dimension_semantics<subcore_parallel>], iteration_bounds = array<i64: 2, 16>, scalar_prefetch = 0 : i64, scratch_operands = 3 : i64, tpu.core_type = #tpu.core_type<sc_vector_subcore>, window_params = [{transform_indices = #map}, {transform_indices = #map}, {transform_indices = #map}]} {
    %mul3A = arith.constant 2 : i32
    %mul3A_0 = arith.muli %arg1, %mul3A : i32
    %add3A = arith.addi %mul3A_0, %arg0 : i32
    %mul3A_1 = arith.constant 512 : i32
    %mul3A_2 = arith.muli %add3A, %mul3A_1 : i32
    %jit3A = arith.constant 4096 : i32
    %div3A = arith.divsi %mul3A_2, %jit3A : i32
    %sign3A = arith.constant 0 : i32
    %sign3A_3 = arith.cmpi sgt, %mul3A_2, %sign3A : i32
    %sign3A_4 = arith.extui %sign3A_3 : i1 to i32
    %sign3A_5 = arith.constant 0 : i32
    %sign3A_6 = arith.cmpi slt, %mul3A_2, %sign3A_5 : i32
    %sign3A_7 = arith.extui %sign3A_6 : i1 to i32
    %sign3A_8 = arith.subi %sign3A_4, %sign3A_7 : i32
    %sign3A_9 = arith.constant 0 : i32
    %sign3A_10 = arith.cmpi sgt, %jit3A, %sign3A_9 : i32
    %sign3A_11 = arith.extui %sign3A_10 : i1 to i32
    %sign3A_12 = arith.constant 0 : i32
    %sign3A_13 = arith.cmpi slt, %jit3A, %sign3A_12 : i32
    %sign3A_14 = arith.extui %sign3A_13 : i1 to i32
    %sign3A_15 = arith.subi %sign3A_11, %sign3A_14 : i32
    %ne3A = arith.cmpi ne, %sign3A_8, %sign3A_15 : i32
    %rem3A = arith.remsi %mul3A_2, %jit3A : i32
    %ne3A_16 = arith.constant 0 : i32
    %ne3A_17 = arith.cmpi ne, %rem3A, %ne3A_16 : i32
    %and3A = arith.andi %ne3A, %ne3A_17 : i1
    %sub3A = arith.constant 1 : i32
    %sub3A_18 = arith.subi %div3A, %sub3A : i32
    %select_n3A = arith.select %and3A, %sub3A_18, %div3A : i32
    %jit3A_19 = arith.constant 4096 : i32
    %eq3A = arith.constant 0 : i32
    %eq3A_20 = arith.cmpi eq, %jit3A_19, %eq3A : i32
    %jit3A_21 = arith.constant 1 : i32
    %select_n3A_22 = arith.select %eq3A_20, %jit3A_21, %jit3A_19 : i32
    %rem3A_23 = arith.remsi %mul3A_2, %select_n3A_22 : i32
    %ne3A_24 = arith.constant 0 : i32
    %ne3A_25 = arith.cmpi ne, %rem3A_23, %ne3A_24 : i32
    %lt3A = arith.constant 0 : i32
    %lt3A_26 = arith.cmpi slt, %rem3A_23, %lt3A : i32
    %lt3A_27 = arith.constant 0 : i32
    %lt3A_28 = arith.cmpi slt, %select_n3A_22, %lt3A_27 : i32
    %ne3A_29 = arith.xori %lt3A_26, %lt3A_28 : i1
    %and3A_30 = arith.andi %ne3A_29, %ne3A_25 : i1
    %add3A_31 = arith.addi %rem3A_23, %select_n3A_22 : i32
    %select_n3A_32 = arith.select %and3A_30, %add3A_31, %rem3A_23 : i32
    %jit3A_33 = arith.constant 2048 : i32
    %div3A_34 = arith.divsi %select_n3A_32, %jit3A_33 : i32
    %sign3A_35 = arith.constant 0 : i32
    %sign3A_36 = arith.cmpi sgt, %select_n3A_32, %sign3A_35 : i32
    %sign3A_37 = arith.extui %sign3A_36 : i1 to i32
    %sign3A_38 = arith.constant 0 : i32
    %sign3A_39 = arith.cmpi slt, %select_n3A_32, %sign3A_38 : i32
    %sign3A_40 = arith.extui %sign3A_39 : i1 to i32
    %sign3A_41 = arith.subi %sign3A_37, %sign3A_40 : i32
    %sign3A_42 = arith.constant 0 : i32
    %sign3A_43 = arith.cmpi sgt, %jit3A_33, %sign3A_42 : i32
    %sign3A_44 = arith.extui %sign3A_43 : i1 to i32
    %sign3A_45 = arith.constant 0 : i32
    %sign3A_46 = arith.cmpi slt, %jit3A_33, %sign3A_45 : i32
    %sign3A_47 = arith.extui %sign3A_46 : i1 to i32
    %sign3A_48 = arith.subi %sign3A_44, %sign3A_47 : i32
    %ne3A_49 = arith.cmpi ne, %sign3A_41, %sign3A_48 : i32
    %rem3A_50 = arith.remsi %select_n3A_32, %jit3A_33 : i32
    %ne3A_51 = arith.constant 0 : i32
    %ne3A_52 = arith.cmpi ne, %rem3A_50, %ne3A_51 : i32
    %and3A_53 = arith.andi %ne3A_49, %ne3A_52 : i1
    %sub3A_54 = arith.constant 1 : i32
    %sub3A_55 = arith.subi %div3A_34, %sub3A_54 : i32
    %select_n3A_56 = arith.select %and3A_53, %sub3A_55, %div3A_34 : i32
    %jit3A_57 = arith.constant 2048 : i32
    %eq3A_58 = arith.constant 0 : i32
    %eq3A_59 = arith.cmpi eq, %jit3A_57, %eq3A_58 : i32
    %jit3A_60 = arith.constant 1 : i32
    %select_n3A_61 = arith.select %eq3A_59, %jit3A_60, %jit3A_57 : i32
    %rem3A_62 = arith.remsi %select_n3A_32, %select_n3A_61 : i32
    %ne3A_63 = arith.constant 0 : i32
    %ne3A_64 = arith.cmpi ne, %rem3A_62, %ne3A_63 : i32
    %lt3A_65 = arith.constant 0 : i32
    %lt3A_66 = arith.cmpi slt, %rem3A_62, %lt3A_65 : i32
    %lt3A_67 = arith.constant 0 : i32
    %lt3A_68 = arith.cmpi slt, %select_n3A_61, %lt3A_67 : i32
    %ne3A_69 = arith.xori %lt3A_66, %lt3A_68 : i1
    %and3A_70 = arith.andi %ne3A_69, %ne3A_64 : i1
    %add3A_71 = arith.addi %rem3A_62, %select_n3A_61 : i32
    %select_n3A_72 = arith.select %and3A_70, %add3A_71, %rem3A_62 : i32
    %jit3A_73 = arith.constant 2 : i32
    %div3A_74 = arith.divsi %add3A, %jit3A_73 : i32
    %sign3A_75 = arith.constant 0 : i32
    %sign3A_76 = arith.cmpi sgt, %add3A, %sign3A_75 : i32
    %sign3A_77 = arith.extui %sign3A_76 : i1 to i32
    %sign3A_78 = arith.constant 0 : i32
    %sign3A_79 = arith.cmpi slt, %add3A, %sign3A_78 : i32
    %sign3A_80 = arith.extui %sign3A_79 : i1 to i32
    %sign3A_81 = arith.subi %sign3A_77, %sign3A_80 : i32
    %sign3A_82 = arith.constant 0 : i32
    %sign3A_83 = arith.cmpi sgt, %jit3A_73, %sign3A_82 : i32
    %sign3A_84 = arith.extui %sign3A_83 : i1 to i32
    %sign3A_85 = arith.constant 0 : i32
    %sign3A_86 = arith.cmpi slt, %jit3A_73, %sign3A_85 : i32
    %sign3A_87 = arith.extui %sign3A_86 : i1 to i32
    %sign3A_88 = arith.subi %sign3A_84, %sign3A_87 : i32
    %ne3A_89 = arith.cmpi ne, %sign3A_81, %sign3A_88 : i32
    %rem3A_90 = arith.remsi %add3A, %jit3A_73 : i32
    %ne3A_91 = arith.constant 0 : i32
    %ne3A_92 = arith.cmpi ne, %rem3A_90, %ne3A_91 : i32
    %and3A_93 = arith.andi %ne3A_89, %ne3A_92 : i1
    %sub3A_94 = arith.constant 1 : i32
    %sub3A_95 = arith.subi %div3A_74, %sub3A_94 : i32
    %select_n3A_96 = arith.select %and3A_93, %sub3A_95, %div3A_74 : i32
    %mul3A_97 = arith.constant 8 : i32
    %mul3A_98 = arith.muli %select_n3A_96, %mul3A_97 : i32
    "tpu.region"() ({
      %run_scoped3A = tpu.sem_alloc : memref<!tpu.dma_semaphore, #tpu.memory_space<semaphore_mem>>
      %dma_start3A_200 = arith.constant 0 : i32
      %dma_start3A_201 = tpu.memref_slice %arg3[%mul3A_98, %dma_start3A_200] : memref<128x128xi32, #tpu.memory_space<hbm>> -> memref<8x128xi32, #tpu.memory_space<hbm>>
      %dma_start3A_202 = arith.constant 0 : i32
      %dma_start3A_203 = tpu.memref_slice %arg3[%mul3A_98, %dma_start3A_202] : memref<128x128xi32, #tpu.memory_space<hbm>> -> memref<8x128xi32, #tpu.memory_space<hbm>>
      tpu.enqueue_dma source(%dma_start3A_203 : memref<8x128xi32, #tpu.memory_space<hbm>>) target(%arg5 : memref<8x128xi32, #tpu.memory_space<vmem>>) target_semaphore(%run_scoped3A : memref<!tpu.dma_semaphore, #tpu.memory_space<semaphore_mem>>)
      %dma_wait3A_204 = arith.constant 0 : i32
      %dma_wait3A_205 = tpu.memref_slice %arg3[%mul3A_98, %dma_wait3A_204] : memref<128x128xi32, #tpu.memory_space<hbm>> -> memref<8x128xi32, #tpu.memory_space<hbm>>
      %dma_wait3A_206 = arith.constant 0 : i32
      %dma_wait3A_207 = tpu.memref_slice %arg3[%mul3A_98, %dma_wait3A_206] : memref<128x128xi32, #tpu.memory_space<hbm>> -> memref<8x128xi32, #tpu.memory_space<hbm>>
      tpu.wait_dma2 semaphore(%run_scoped3A : memref<!tpu.dma_semaphore, #tpu.memory_space<semaphore_mem>>) src(%dma_wait3A_207 : memref<8x128xi32, #tpu.memory_space<hbm>>) dst(%arg5 : memref<8x128xi32, #tpu.memory_space<vmem>>)
      tpu.yield
    }) : () -> ()
    %jit3A_99 = arith.constant 2 : i32
    %eq3A_100 = arith.constant 0 : i32
    %eq3A_101 = arith.cmpi eq, %jit3A_99, %eq3A_100 : i32
    %jit3A_102 = arith.constant 1 : i32
    %select_n3A_103 = arith.select %eq3A_101, %jit3A_102, %jit3A_99 : i32
    %rem3A_104 = arith.remsi %add3A, %select_n3A_103 : i32
    %ne3A_105 = arith.constant 0 : i32
    %ne3A_106 = arith.cmpi ne, %rem3A_104, %ne3A_105 : i32
    %lt3A_107 = arith.constant 0 : i32
    %lt3A_108 = arith.cmpi slt, %rem3A_104, %lt3A_107 : i32
    %lt3A_109 = arith.constant 0 : i32
    %lt3A_110 = arith.cmpi slt, %select_n3A_103, %lt3A_109 : i32
    %ne3A_111 = arith.xori %lt3A_108, %lt3A_110 : i1
    %and3A_112 = arith.andi %ne3A_111, %ne3A_106 : i1
    %add3A_113 = arith.addi %rem3A_104, %select_n3A_103 : i32
    %select_n3A_114 = arith.select %and3A_112, %add3A_113, %rem3A_104 : i32
    %mul3A_115 = arith.constant 4 : i32
    %mul3A_116 = arith.muli %select_n3A_114, %mul3A_115 : i32
    %add3A_117 = arith.constant 0 : i32
    %add3A_118 = arith.addi %mul3A_116, %add3A_117 : i32
    %dma_start3A = arith.constant 0 : i32
    %dma_start3A_119 = arith.constant 0 : i32
    %dma_start3A_120 = tpu.memref_slice %arg6[%dma_start3A, %dma_start3A_119] : memref<512x128xf32, #tpu.memory_space<vmem>> -> memref<128x128xf32, #tpu.memory_space<vmem>>
    %dma_start3A_121 = arith.constant 0 : i32
    %dma_start3A_122 = tpu.memref_slice %arg5[%add3A_118, %dma_start3A_121] : memref<8x128xi32, #tpu.memory_space<vmem>> -> memref<1x128xi32, #tpu.memory_space<vmem>>
    %dma_start3A_123 = tpu.memref_squeeze %dma_start3A_122 : memref<1x128xi32, #tpu.memory_space<vmem>> -> memref<128xi32, #tpu.memory_space<vmem>>
    %dma_start3A_124 = arith.constant 0 : i32
    %dma_start3A_125 = arith.constant 0 : i32
    %dma_start3A_126 = tpu.memref_slice %arg2[%dma_start3A_124, %dma_start3A_125] : memref<640x128xf32, #tpu.memory_space<hbm>> -> memref<640x128xf32, #tpu.memory_space<hbm>>
    tpu.enqueue_indirect_dma source(%dma_start3A_126 : memref<640x128xf32, #tpu.memory_space<hbm>>) target(%dma_start3A_120 : memref<128x128xf32, #tpu.memory_space<vmem>>) offsets(%dma_start3A_123 : memref<128xi32, #tpu.memory_space<vmem>>) semaphore(%arg7 : memref<!tpu.dma_semaphore, #tpu.memory_space<semaphore_mem>>)
    %add3A_127 = arith.constant 1 : i32
    %add3A_128 = arith.addi %mul3A_116, %add3A_127 : i32
    %dma_start3A_129 = arith.constant 128 : i32
    %dma_start3A_130 = arith.constant 0 : i32
    %dma_start3A_131 = tpu.memref_slice %arg6[%dma_start3A_129, %dma_start3A_130] : memref<512x128xf32, #tpu.memory_space<vmem>> -> memref<128x128xf32, #tpu.memory_space<vmem>>
    %dma_start3A_132 = arith.constant 0 : i32
    %dma_start3A_133 = tpu.memref_slice %arg5[%add3A_128, %dma_start3A_132] : memref<8x128xi32, #tpu.memory_space<vmem>> -> memref<1x128xi32, #tpu.memory_space<vmem>>
    %dma_start3A_134 = tpu.memref_squeeze %dma_start3A_133 : memref<1x128xi32, #tpu.memory_space<vmem>> -> memref<128xi32, #tpu.memory_space<vmem>>
    %dma_start3A_135 = arith.constant 0 : i32
    %dma_start3A_136 = arith.constant 0 : i32
    %dma_start3A_137 = tpu.memref_slice %arg2[%dma_start3A_135, %dma_start3A_136] : memref<640x128xf32, #tpu.memory_space<hbm>> -> memref<640x128xf32, #tpu.memory_space<hbm>>
    tpu.enqueue_indirect_dma source(%dma_start3A_137 : memref<640x128xf32, #tpu.memory_space<hbm>>) target(%dma_start3A_131 : memref<128x128xf32, #tpu.memory_space<vmem>>) offsets(%dma_start3A_134 : memref<128xi32, #tpu.memory_space<vmem>>) semaphore(%arg7 : memref<!tpu.dma_semaphore, #tpu.memory_space<semaphore_mem>>)
    %add3A_138 = arith.constant 2 : i32
    %add3A_139 = arith.addi %mul3A_116, %add3A_138 : i32
    %dma_start3A_140 = arith.constant 256 : i32
    %dma_start3A_141 = arith.constant 0 : i32
    %dma_start3A_142 = tpu.memref_slice %arg6[%dma_start3A_140, %dma_start3A_141] : memref<512x128xf32, #tpu.memory_space<vmem>> -> memref<128x128xf32, #tpu.memory_space<vmem>>
    %dma_start3A_143 = arith.constant 0 : i32
    %dma_start3A_144 = tpu.memref_slice %arg5[%add3A_139, %dma_start3A_143] : memref<8x128xi32, #tpu.memory_space<vmem>> -> memref<1x128xi32, #tpu.memory_space<vmem>>
    %dma_start3A_145 = tpu.memref_squeeze %dma_start3A_144 : memref<1x128xi32, #tpu.memory_space<vmem>> -> memref<128xi32, #tpu.memory_space<vmem>>
    %dma_start3A_146 = arith.constant 0 : i32
    %dma_start3A_147 = arith.constant 0 : i32
    %dma_start3A_148 = tpu.memref_slice %arg2[%dma_start3A_146, %dma_start3A_147] : memref<640x128xf32, #tpu.memory_space<hbm>> -> memref<640x128xf32, #tpu.memory_space<hbm>>
    tpu.enqueue_indirect_dma source(%dma_start3A_148 : memref<640x128xf32, #tpu.memory_space<hbm>>) target(%dma_start3A_142 : memref<128x128xf32, #tpu.memory_space<vmem>>) offsets(%dma_start3A_145 : memref<128xi32, #tpu.memory_space<vmem>>) semaphore(%arg7 : memref<!tpu.dma_semaphore, #tpu.memory_space<semaphore_mem>>)
    %add3A_149 = arith.constant 3 : i32
    %add3A_150 = arith.addi %mul3A_116, %add3A_149 : i32
    %dma_start3A_151 = arith.constant 384 : i32
    %dma_start3A_152 = arith.constant 0 : i32
    %dma_start3A_153 = tpu.memref_slice %arg6[%dma_start3A_151, %dma_start3A_152] : memref<512x128xf32, #tpu.memory_space<vmem>> -> memref<128x128xf32, #tpu.memory_space<vmem>>
    %dma_start3A_154 = arith.constant 0 : i32
    %dma_start3A_155 = tpu.memref_slice %arg5[%add3A_150, %dma_start3A_154] : memref<8x128xi32, #tpu.memory_space<vmem>> -> memref<1x128xi32, #tpu.memory_space<vmem>>
    %dma_start3A_156 = tpu.memref_squeeze %dma_start3A_155 : memref<1x128xi32, #tpu.memory_space<vmem>> -> memref<128xi32, #tpu.memory_space<vmem>>
    %dma_start3A_157 = arith.constant 0 : i32
    %dma_start3A_158 = arith.constant 0 : i32
    %dma_start3A_159 = tpu.memref_slice %arg2[%dma_start3A_157, %dma_start3A_158] : memref<640x128xf32, #tpu.memory_space<hbm>> -> memref<640x128xf32, #tpu.memory_space<hbm>>
    tpu.enqueue_indirect_dma source(%dma_start3A_159 : memref<640x128xf32, #tpu.memory_space<hbm>>) target(%dma_start3A_153 : memref<128x128xf32, #tpu.memory_space<vmem>>) offsets(%dma_start3A_156 : memref<128xi32, #tpu.memory_space<vmem>>) semaphore(%arg7 : memref<!tpu.dma_semaphore, #tpu.memory_space<semaphore_mem>>)
    %dma_wait3A = arith.constant 0 : i32
    %dma_wait3A_160 = arith.constant 0 : i32
    %dma_wait3A_161 = tpu.memref_slice %arg6[%dma_wait3A, %dma_wait3A_160] : memref<512x128xf32, #tpu.memory_space<vmem>> -> memref<128x128xf32, #tpu.memory_space<vmem>>
    %dma_wait3A_162 = arith.constant 0 : i32
    %dma_wait3A_163 = tpu.memref_slice %arg5[%add3A_118, %dma_wait3A_162] : memref<8x128xi32, #tpu.memory_space<vmem>> -> memref<1x128xi32, #tpu.memory_space<vmem>>
    %dma_wait3A_164 = tpu.memref_squeeze %dma_wait3A_163 : memref<1x128xi32, #tpu.memory_space<vmem>> -> memref<128xi32, #tpu.memory_space<vmem>>
    %dma_wait3A_165 = arith.constant 0 : i32
    %dma_wait3A_166 = arith.constant 0 : i32
    %dma_wait3A_167 = tpu.memref_slice %arg2[%dma_wait3A_165, %dma_wait3A_166] : memref<640x128xf32, #tpu.memory_space<hbm>> -> memref<640x128xf32, #tpu.memory_space<hbm>>
    tpu.wait_indirect_dma semaphore(%arg7 : memref<!tpu.dma_semaphore, #tpu.memory_space<semaphore_mem>>) src(%dma_wait3A_167 : memref<640x128xf32, #tpu.memory_space<hbm>>) dst(%dma_wait3A_161 : memref<128x128xf32, #tpu.memory_space<vmem>>)
    %dma_wait3A_168 = arith.constant 128 : i32
    %dma_wait3A_169 = arith.constant 0 : i32
    %dma_wait3A_170 = tpu.memref_slice %arg6[%dma_wait3A_168, %dma_wait3A_169] : memref<512x128xf32, #tpu.memory_space<vmem>> -> memref<128x128xf32, #tpu.memory_space<vmem>>
    %dma_wait3A_171 = arith.constant 0 : i32
    %dma_wait3A_172 = tpu.memref_slice %arg5[%add3A_128, %dma_wait3A_171] : memref<8x128xi32, #tpu.memory_space<vmem>> -> memref<1x128xi32, #tpu.memory_space<vmem>>
    %dma_wait3A_173 = tpu.memref_squeeze %dma_wait3A_172 : memref<1x128xi32, #tpu.memory_space<vmem>> -> memref<128xi32, #tpu.memory_space<vmem>>
    %dma_wait3A_174 = arith.constant 0 : i32
    %dma_wait3A_175 = arith.constant 0 : i32
    %dma_wait3A_176 = tpu.memref_slice %arg2[%dma_wait3A_174, %dma_wait3A_175] : memref<640x128xf32, #tpu.memory_space<hbm>> -> memref<640x128xf32, #tpu.memory_space<hbm>>
    tpu.wait_indirect_dma semaphore(%arg7 : memref<!tpu.dma_semaphore, #tpu.memory_space<semaphore_mem>>) src(%dma_wait3A_176 : memref<640x128xf32, #tpu.memory_space<hbm>>) dst(%dma_wait3A_170 : memref<128x128xf32, #tpu.memory_space<vmem>>)
    %dma_wait3A_177 = arith.constant 256 : i32
    %dma_wait3A_178 = arith.constant 0 : i32
    %dma_wait3A_179 = tpu.memref_slice %arg6[%dma_wait3A_177, %dma_wait3A_178] : memref<512x128xf32, #tpu.memory_space<vmem>> -> memref<128x128xf32, #tpu.memory_space<vmem>>
    %dma_wait3A_180 = arith.constant 0 : i32
    %dma_wait3A_181 = tpu.memref_slice %arg5[%add3A_139, %dma_wait3A_180] : memref<8x128xi32, #tpu.memory_space<vmem>> -> memref<1x128xi32, #tpu.memory_space<vmem>>
    %dma_wait3A_182 = tpu.memref_squeeze %dma_wait3A_181 : memref<1x128xi32, #tpu.memory_space<vmem>> -> memref<128xi32, #tpu.memory_space<vmem>>
    %dma_wait3A_183 = arith.constant 0 : i32
    %dma_wait3A_184 = arith.constant 0 : i32
    %dma_wait3A_185 = tpu.memref_slice %arg2[%dma_wait3A_183, %dma_wait3A_184] : memref<640x128xf32, #tpu.memory_space<hbm>> -> memref<640x128xf32, #tpu.memory_space<hbm>>
    tpu.wait_indirect_dma semaphore(%arg7 : memref<!tpu.dma_semaphore, #tpu.memory_space<semaphore_mem>>) src(%dma_wait3A_185 : memref<640x128xf32, #tpu.memory_space<hbm>>) dst(%dma_wait3A_179 : memref<128x128xf32, #tpu.memory_space<vmem>>)
    %dma_wait3A_186 = arith.constant 384 : i32
    %dma_wait3A_187 = arith.constant 0 : i32
    %dma_wait3A_188 = tpu.memref_slice %arg6[%dma_wait3A_186, %dma_wait3A_187] : memref<512x128xf32, #tpu.memory_space<vmem>> -> memref<128x128xf32, #tpu.memory_space<vmem>>
    %dma_wait3A_189 = arith.constant 0 : i32
    %dma_wait3A_190 = tpu.memref_slice %arg5[%add3A_150, %dma_wait3A_189] : memref<8x128xi32, #tpu.memory_space<vmem>> -> memref<1x128xi32, #tpu.memory_space<vmem>>
    %dma_wait3A_191 = tpu.memref_squeeze %dma_wait3A_190 : memref<1x128xi32, #tpu.memory_space<vmem>> -> memref<128xi32, #tpu.memory_space<vmem>>
    %dma_wait3A_192 = arith.constant 0 : i32
    %dma_wait3A_193 = arith.constant 0 : i32
    %dma_wait3A_194 = tpu.memref_slice %arg2[%dma_wait3A_192, %dma_wait3A_193] : memref<640x128xf32, #tpu.memory_space<hbm>> -> memref<640x128xf32, #tpu.memory_space<hbm>>
    tpu.wait_indirect_dma semaphore(%arg7 : memref<!tpu.dma_semaphore, #tpu.memory_space<semaphore_mem>>) src(%dma_wait3A_194 : memref<640x128xf32, #tpu.memory_space<hbm>>) dst(%dma_wait3A_188 : memref<128x128xf32, #tpu.memory_space<vmem>>)
    %mul3A_195 = arith.constant 2048 : i32
    %mul3A_196 = arith.muli %select_n3A, %mul3A_195 : i32
    %add3A_197 = arith.addi %mul3A_196, %select_n3A_72 : i32
    %multiple_of3A = tpu.assume_multiple %add3A_197, 512 : i32
    %mul3A_198 = arith.constant 128 : i32
    %mul3A_199 = arith.muli %select_n3A_56, %mul3A_198 : i32
    "tpu.region"() ({
      %run_scoped3A = tpu.sem_alloc : memref<!tpu.dma_semaphore, #tpu.memory_space<semaphore_mem>>
      %dma_start3A_200 = tpu.memref_slice %arg4[%multiple_of3A, %mul3A_199] : memref<8192x256xf32, #tpu.memory_space<hbm>> -> memref<512x128xf32, #tpu.memory_space<hbm>>
      %dma_start3A_201 = tpu.memref_slice %arg4[%multiple_of3A, %mul3A_199] : memref<8192x256xf32, #tpu.memory_space<hbm>> -> memref<512x128xf32, #tpu.memory_space<hbm>>
      tpu.enqueue_dma source(%arg6 : memref<512x128xf32, #tpu.memory_space<vmem>>) target(%dma_start3A_201 : memref<512x128xf32, #tpu.memory_space<hbm>>) target_semaphore(%run_scoped3A : memref<!tpu.dma_semaphore, #tpu.memory_space<semaphore_mem>>)
      %dma_wait3A_202 = tpu.memref_slice %arg4[%multiple_of3A, %mul3A_199] : memref<8192x256xf32, #tpu.memory_space<hbm>> -> memref<512x128xf32, #tpu.memory_space<hbm>>
      %dma_wait3A_203 = tpu.memref_slice %arg4[%multiple_of3A, %mul3A_199] : memref<8192x256xf32, #tpu.memory_space<hbm>> -> memref<512x128xf32, #tpu.memory_space<hbm>>
      tpu.wait_dma2 semaphore(%run_scoped3A : memref<!tpu.dma_semaphore, #tpu.memory_space<semaphore_mem>>) src(%arg6 : memref<512x128xf32, #tpu.memory_space<vmem>>) dst(%dma_wait3A_203 : memref<512x128xf32, #tpu.memory_space<hbm>>)
      tpu.yield
    }) : () -> ()
    return
  }
}

module attributes {stable_mosaic.version = 14 : i64} {
  func.func @_tc_body(%arg0: i32, %arg1: memref<512x1024xf32, #tpu.memory_space<vmem>>, %arg2: memref<512x1024xf32, #tpu.memory_space<vmem>>, %arg3: memref<512x1024xf32, #tpu.memory_space<vmem>>, %arg4: memref<512x1024xf32, #tpu.memory_space<vmem>>, %arg5: memref<1024x640xf32, #tpu.memory_space<vmem>>, %arg6: memref<640xf32, #tpu.memory_space<vmem>>, %arg7: memref<1x32x128xi32, #tpu.memory_space<vmem>>, %arg8: memref<1x640xf32, #tpu.memory_space<vmem>>, %arg9: memref<1x640xf32, #tpu.memory_space<vmem>>, %arg10: memref<1x1xf32, #tpu.memory_space<vmem>>, %arg11: memref<1x1xf32, #tpu.memory_space<vmem>>) attributes {dimension_semantics = [#tpu.dimension_semantics<arbitrary>], iteration_bounds = array<i64: 4>, scalar_prefetch = 0 : i64, scratch_operands = 0 : i64, tpu.core_type = #tpu.core_type<tc>, window_params = [{transform_indices = @transform_0, window_bounds = array<i64: 512, 1024>}, {transform_indices = @transform_1, window_bounds = array<i64: 512, 1024>}, {transform_indices = @transform_2, window_bounds = array<i64: 512, 1024>}, {transform_indices = @transform_3, window_bounds = array<i64: 512, 1024>}, {pipeline_mode = #tpu.pipeline_mode<synchronous>, transform_indices = @transform_4, window_bounds = array<i64: 1024, 640>}, {pipeline_mode = #tpu.pipeline_mode<synchronous>, transform_indices = @transform_5, window_bounds = array<i64: 640>}, {transform_indices = @transform_6, window_bounds = array<i64: 1, 32, 128>}, {pipeline_mode = #tpu.pipeline_mode<synchronous>, transform_indices = @transform_7, window_bounds = array<i64: 1, 640>}, {pipeline_mode = #tpu.pipeline_mode<synchronous>, transform_indices = @transform_8, window_bounds = array<i64: 1, 640>}, {pipeline_mode = #tpu.pipeline_mode<synchronous>, transform_indices = @transform_9, window_bounds = array<i64: 1, 1>}, {pipeline_mode = #tpu.pipeline_mode<synchronous>, transform_indices = @transform_10, window_bounds = array<i64: 1, 1>}]} {
    %get3A = arith.constant 0 : index
    %get3A_0 = arith.constant 0 : index
    %get3A_1 = vector.load %arg1[%get3A, %get3A_0] : memref<512x1024xf32, #tpu.memory_space<vmem>>, vector<512x1024xf32>
    %get3A_2 = arith.constant 0 : index
    %get3A_3 = arith.constant 0 : index
    %get3A_4 = vector.load %arg5[%get3A_2, %get3A_3] : memref<1024x640xf32, #tpu.memory_space<vmem>>, vector<1024x640xf32>
    %dot_general3A = arith.constant dense<0.000000e+00> : vector<512x640xf32>
    %dot_general3A_5 = tpu.matmul %get3A_1, %get3A_4, %dot_general3A {dimension_numbers = #tpu.dot_dimension_numbers<[1], [0], [0], [1], [0, 0, 1, 1], [], []>, transpose_lhs_hint = false} : vector<512x1024xf32>, vector<1024x640xf32>, vector<512x640xf32> -> vector<512x640xf32>
    %get3A_6 = arith.constant 0 : index
    %get3A_7 = arith.constant 0 : index
    %get3A_8 = vector.load %arg2[%get3A_6, %get3A_7] : memref<512x1024xf32, #tpu.memory_space<vmem>>, vector<512x1024xf32>
    %get3A_9 = arith.constant 0 : index
    %get3A_10 = arith.constant 0 : index
    %get3A_11 = vector.load %arg5[%get3A_9, %get3A_10] : memref<1024x640xf32, #tpu.memory_space<vmem>>, vector<1024x640xf32>
    %dot_general3A_12 = arith.constant dense<0.000000e+00> : vector<512x640xf32>
    %dot_general3A_13 = tpu.matmul %get3A_8, %get3A_11, %dot_general3A_12 {dimension_numbers = #tpu.dot_dimension_numbers<[1], [0], [0], [1], [0, 0, 1, 1], [], []>, transpose_lhs_hint = false} : vector<512x1024xf32>, vector<1024x640xf32>, vector<512x640xf32> -> vector<512x640xf32>
    %get3A_14 = arith.constant 0 : index
    %get3A_15 = arith.constant 0 : index
    %get3A_16 = vector.load %arg3[%get3A_14, %get3A_15] : memref<512x1024xf32, #tpu.memory_space<vmem>>, vector<512x1024xf32>
    %get3A_17 = arith.constant 0 : index
    %get3A_18 = arith.constant 0 : index
    %get3A_19 = vector.load %arg5[%get3A_17, %get3A_18] : memref<1024x640xf32, #tpu.memory_space<vmem>>, vector<1024x640xf32>
    %dot_general3A_20 = arith.constant dense<0.000000e+00> : vector<512x640xf32>
    %dot_general3A_21 = tpu.matmul %get3A_16, %get3A_19, %dot_general3A_20 {dimension_numbers = #tpu.dot_dimension_numbers<[1], [0], [0], [1], [0, 0, 1, 1], [], []>, transpose_lhs_hint = false} : vector<512x1024xf32>, vector<1024x640xf32>, vector<512x640xf32> -> vector<512x640xf32>
    %get3A_22 = arith.constant 0 : index
    %get3A_23 = arith.constant 0 : index
    %get3A_24 = vector.load %arg4[%get3A_22, %get3A_23] : memref<512x1024xf32, #tpu.memory_space<vmem>>, vector<512x1024xf32>
    %get3A_25 = arith.constant 0 : index
    %get3A_26 = arith.constant 0 : index
    %get3A_27 = vector.load %arg5[%get3A_25, %get3A_26] : memref<1024x640xf32, #tpu.memory_space<vmem>>, vector<1024x640xf32>
    %dot_general3A_28 = arith.constant dense<0.000000e+00> : vector<512x640xf32>
    %dot_general3A_29 = tpu.matmul %get3A_24, %get3A_27, %dot_general3A_28 {dimension_numbers = #tpu.dot_dimension_numbers<[1], [0], [0], [1], [0, 0, 1, 1], [], []>, transpose_lhs_hint = false} : vector<512x1024xf32>, vector<1024x640xf32>, vector<512x640xf32> -> vector<512x640xf32>
    %concatenate3A = tpu.concatenate %dot_general3A_5, %dot_general3A_13, %dot_general3A_21, %dot_general3A_29 in 0 : vector<512x640xf32>, vector<512x640xf32>, vector<512x640xf32>, vector<512x640xf32> -> vector<2048x640xf32>
    %get3A_30 = arith.constant 0 : index
    %get3A_31 = vector.load %arg6[%get3A_30] : memref<640xf32, #tpu.memory_space<vmem>>, vector<640xf32>
    %broadcast_in_dim3A = vector.shape_cast %get3A_31 : vector<640xf32> to vector<1x640xf32>
    %add3A = vector.broadcast %broadcast_in_dim3A : vector<1x640xf32> to vector<2048x640xf32>
    %add3A_32 = arith.addf %concatenate3A, %add3A : vector<2048x640xf32>
    %iota3A = tpu.iota {dimensions = array<i32: 1>} : vector<2048x640xi32>
    %lt3A = arith.constant 320 : i32
    %lt3A_33 = vector.broadcast %lt3A : i32 to vector<2048x640xi32>
    %lt3A_34 = arith.cmpi slt, %iota3A, %lt3A_33 : vector<2048x640xi32>
    %jit3A = arith.constant 0xFF800000 : f32
    %broadcast_in_dim3A_35 = vector.broadcast %jit3A : f32 to vector<2048x640xf32>
    %select_n3A = arith.select %lt3A_34, %add3A_32, %broadcast_in_dim3A_35 : vector<2048x640xi1>, vector<2048x640xf32>
    %reduce_max3A = arith.constant dense<0xFF800000> : vector<2048xf32>
    %reduce_max3A_36 = vector.multi_reduction <maximumf>, %select_n3A, %reduce_max3A [1] : vector<2048x640xf32> to vector<2048xf32>
    %broadcast_in_dim3A_37 = vector.shape_cast %reduce_max3A_36 : vector<2048xf32> to vector<2048x1xf32>
    %jit3A_38 = arith.constant 0xFF800000 : f32
    %broadcast_in_dim3A_39 = vector.broadcast %jit3A_38 : f32 to vector<2048x640xf32>
    %select_n3A_40 = arith.select %lt3A_34, %broadcast_in_dim3A_39, %add3A_32 : vector<2048x640xi1>, vector<2048x640xf32>
    %reduce_max3A_41 = arith.constant dense<0xFF800000> : vector<2048xf32>
    %reduce_max3A_42 = vector.multi_reduction <maximumf>, %select_n3A_40, %reduce_max3A_41 [1] : vector<2048x640xf32> to vector<2048xf32>
    %broadcast_in_dim3A_43 = vector.shape_cast %reduce_max3A_42 : vector<2048xf32> to vector<2048x1xf32>
    %broadcast_in_dim3A_44 = vector.shape_cast %broadcast_in_dim3A_37 : vector<2048x1xf32> to vector<2048x1xf32>
    %broadcast_in_dim3A_45 = vector.broadcast %broadcast_in_dim3A_44 : vector<2048x1xf32> to vector<2048x640xf32>
    %broadcast_in_dim3A_46 = vector.shape_cast %broadcast_in_dim3A_43 : vector<2048x1xf32> to vector<2048x1xf32>
    %broadcast_in_dim3A_47 = vector.broadcast %broadcast_in_dim3A_46 : vector<2048x1xf32> to vector<2048x640xf32>
    %select_n3A_48 = arith.select %lt3A_34, %broadcast_in_dim3A_45, %broadcast_in_dim3A_47 : vector<2048x640xi1>, vector<2048x640xf32>
    %eq3A = arith.cmpf oeq, %add3A_32, %select_n3A_48 : vector<2048x640xf32>
    %jit3A_49 = arith.constant 640 : i32
    %broadcast_in_dim3A_50 = vector.broadcast %jit3A_49 : i32 to vector<2048x640xi32>
    %select_n3A_51 = arith.select %eq3A, %iota3A, %broadcast_in_dim3A_50 : vector<2048x640xi1>, vector<2048x640xi32>
    %jit3A_52 = arith.constant 640 : i32
    %broadcast_in_dim3A_53 = vector.broadcast %jit3A_52 : i32 to vector<2048x640xi32>
    %select_n3A_54 = arith.select %lt3A_34, %select_n3A_51, %broadcast_in_dim3A_53 : vector<2048x640xi1>, vector<2048x640xi32>
    %reduce_min3A = arith.constant dense<2147483647> : vector<2048xi32>
    %reduce_min3A_55 = vector.multi_reduction <minsi>, %select_n3A_54, %reduce_min3A [1] : vector<2048x640xi32> to vector<2048xi32>
    %broadcast_in_dim3A_56 = vector.shape_cast %reduce_min3A_55 : vector<2048xi32> to vector<2048x1xi32>
    %jit3A_57 = arith.constant 640 : i32
    %broadcast_in_dim3A_58 = vector.broadcast %jit3A_57 : i32 to vector<2048x640xi32>
    %select_n3A_59 = arith.select %lt3A_34, %broadcast_in_dim3A_58, %select_n3A_51 : vector<2048x640xi1>, vector<2048x640xi32>
    %reduce_min3A_60 = arith.constant dense<2147483647> : vector<2048xi32>
    %reduce_min3A_61 = vector.multi_reduction <minsi>, %select_n3A_59, %reduce_min3A_60 [1] : vector<2048x640xi32> to vector<2048xi32>
    %broadcast_in_dim3A_62 = vector.shape_cast %reduce_min3A_61 : vector<2048xi32> to vector<2048x1xi32>
    %transpose3A = tpu.transpose %broadcast_in_dim3A_56, [1, 0] : vector<2048x1xi32> -> vector<1x2048xi32>
    %reshape3A = vector.shape_cast %transpose3A : vector<1x2048xi32> to vector<16x128xi32>
    %transpose3A_63 = tpu.transpose %broadcast_in_dim3A_62, [1, 0] : vector<2048x1xi32> -> vector<1x2048xi32>
    %reshape3A_64 = vector.shape_cast %transpose3A_63 : vector<1x2048xi32> to vector<16x128xi32>
    %concatenate3A_65 = tpu.concatenate %reshape3A, %reshape3A_64 in 0 : vector<16x128xi32>, vector<16x128xi32> -> vector<32x128xi32>
    %swap3A = arith.constant 0 : index
    %swap3A_66 = arith.constant 0 : index
    %swap3A_67 = arith.constant 0 : index
    %swap3A_68 = vector.load %arg7[%swap3A, %swap3A_66, %swap3A_67] : memref<1x32x128xi32, #tpu.memory_space<vmem>>, vector<1x32x128xi32>
    %swap3A_69 = vector.shape_cast %swap3A_68 : vector<1x32x128xi32> to vector<32x128xi32>
    %swap3A_70 = vector.shape_cast %concatenate3A_65 : vector<32x128xi32> to vector<1x32x128xi32>
    tpu.vector_store %arg7[%swap3A, %swap3A_66, %swap3A_67], %swap3A_70 {strides = array<i32>} : memref<1x32x128xi32, #tpu.memory_space<vmem>>, vector<1x32x128xi32>,
    %sub3A = arith.subf %add3A_32, %select_n3A_48 : vector<2048x640xf32>
    %exp3A = math.exp %sub3A : vector<2048x640xf32>
    %jit3A_71 = arith.constant 0.000000e+00 : f32
    %broadcast_in_dim3A_72 = vector.broadcast %jit3A_71 : f32 to vector<2048x640xf32>
    %select_n3A_73 = arith.select %lt3A_34, %exp3A, %broadcast_in_dim3A_72 : vector<2048x640xi1>, vector<2048x640xf32>
    %reduce_sum3A = arith.constant dense<0.000000e+00> : vector<2048xf32>
    %reduce_sum3A_74 = vector.multi_reduction <add>, %select_n3A_73, %reduce_sum3A [1] : vector<2048x640xf32> to vector<2048xf32>
    %broadcast_in_dim3A_75 = vector.shape_cast %reduce_sum3A_74 : vector<2048xf32> to vector<2048x1xf32>
    %jit3A_76 = arith.constant 0.000000e+00 : f32
    %broadcast_in_dim3A_77 = vector.broadcast %jit3A_76 : f32 to vector<2048x640xf32>
    %select_n3A_78 = arith.select %lt3A_34, %broadcast_in_dim3A_77, %exp3A : vector<2048x640xi1>, vector<2048x640xf32>
    %reduce_sum3A_79 = arith.constant dense<0.000000e+00> : vector<2048xf32>
    %reduce_sum3A_80 = vector.multi_reduction <add>, %select_n3A_78, %reduce_sum3A_79 [1] : vector<2048x640xf32> to vector<2048xf32>
    %broadcast_in_dim3A_81 = vector.shape_cast %reduce_sum3A_80 : vector<2048xf32> to vector<2048x1xf32>
    %broadcast_in_dim3A_82 = vector.shape_cast %broadcast_in_dim3A_75 : vector<2048x1xf32> to vector<2048x1xf32>
    %broadcast_in_dim3A_83 = vector.broadcast %broadcast_in_dim3A_82 : vector<2048x1xf32> to vector<2048x640xf32>
    %broadcast_in_dim3A_84 = vector.shape_cast %broadcast_in_dim3A_81 : vector<2048x1xf32> to vector<2048x1xf32>
    %broadcast_in_dim3A_85 = vector.broadcast %broadcast_in_dim3A_84 : vector<2048x1xf32> to vector<2048x640xf32>
    %select_n3A_86 = arith.select %lt3A_34, %broadcast_in_dim3A_83, %broadcast_in_dim3A_85 : vector<2048x640xi1>, vector<2048x640xf32>
    %div3A = arith.constant 1.000000e+00 : f32
    %div3A_87 = vector.broadcast %div3A : f32 to vector<2048x640xf32>
    %div3A_88 = arith.divf %div3A_87, %select_n3A_86 : vector<2048x640xf32>
    %mul3A = arith.mulf %exp3A, %div3A_88 : vector<2048x640xf32>
    %reduce_sum3A_89 = arith.constant dense<0.000000e+00> : vector<640xf32>
    %reduce_sum3A_90 = vector.multi_reduction <add>, %mul3A, %reduce_sum3A_89 [0] : vector<2048x640xf32> to vector<640xf32>
    %broadcast_in_dim3A_91 = vector.shape_cast %reduce_sum3A_90 : vector<640xf32> to vector<1x640xf32>
    %jit3A_92 = arith.constant 1.000000e+00 : f32
    %jit3A_93 = arith.constant 0.000000e+00 : f32
    %broadcast_in_dim3A_94 = vector.broadcast %jit3A_92 : f32 to vector<2048x640xf32>
    %broadcast_in_dim3A_95 = vector.broadcast %jit3A_93 : f32 to vector<2048x640xf32>
    %select_n3A_96 = arith.select %eq3A, %broadcast_in_dim3A_94, %broadcast_in_dim3A_95 : vector<2048x640xi1>, vector<2048x640xf32>
    %reduce_sum3A_97 = arith.constant dense<0.000000e+00> : vector<640xf32>
    %reduce_sum3A_98 = vector.multi_reduction <add>, %select_n3A_96, %reduce_sum3A_97 [0] : vector<2048x640xf32> to vector<640xf32>
    %broadcast_in_dim3A_99 = vector.shape_cast %reduce_sum3A_98 : vector<640xf32> to vector<1x640xf32>
    %eq3A_100 = arith.constant 0 : i32
    %eq3A_101 = arith.cmpi eq, %arg0, %eq3A_100 : i32
    %convert_element_type3A = arith.extui %eq3A_101 : i1 to i32
    %cond3A = arith.constant 0 : i32
    %cond3A_102 = arith.cmpi ne, %convert_element_type3A, %cond3A : i32
    scf.if %cond3A_102 {
      %swap3A_112 = arith.constant 0 : index
      %swap3A_113 = arith.constant 0 : index
      %swap3A_114 = vector.load %arg8[%swap3A_112, %swap3A_113] : memref<1x640xf32, #tpu.memory_space<vmem>>, vector<1x640xf32>
      tpu.vector_store %arg8[%swap3A_112, %swap3A_113], %broadcast_in_dim3A_99 {strides = array<i32>} : memref<1x640xf32, #tpu.memory_space<vmem>>, vector<1x640xf32>,
      %swap3A_115 = arith.constant 0 : index
      %swap3A_116 = arith.constant 0 : index
      %swap3A_117 = vector.load %arg9[%swap3A_115, %swap3A_116] : memref<1x640xf32, #tpu.memory_space<vmem>>, vector<1x640xf32>
      tpu.vector_store %arg9[%swap3A_115, %swap3A_116], %broadcast_in_dim3A_91 {strides = array<i32>} : memref<1x640xf32, #tpu.memory_space<vmem>>, vector<1x640xf32>,
    } else {
    }
    %gt3A = arith.constant 0 : i32
    %gt3A_103 = arith.cmpi sgt, %arg0, %gt3A : i32
    %convert_element_type3A_104 = arith.extui %gt3A_103 : i1 to i32
    %cond3A_105 = arith.constant 0 : i32
    %cond3A_106 = arith.cmpi ne, %convert_element_type3A_104, %cond3A_105 : i32
    scf.if %cond3A_106 {
      %get3A_112 = arith.constant 0 : index
      %get3A_113 = arith.constant 0 : index
      %get3A_114 = vector.load %arg8[%get3A_112, %get3A_113] : memref<1x640xf32, #tpu.memory_space<vmem>>, vector<1x640xf32>
      %add3A_115 = arith.addf %get3A_114, %broadcast_in_dim3A_99 : vector<1x640xf32>
      %swap3A_116 = arith.constant 0 : index
      %swap3A_117 = arith.constant 0 : index
      %swap3A_118 = vector.load %arg8[%swap3A_116, %swap3A_117] : memref<1x640xf32, #tpu.memory_space<vmem>>, vector<1x640xf32>
      tpu.vector_store %arg8[%swap3A_116, %swap3A_117], %add3A_115 {strides = array<i32>} : memref<1x640xf32, #tpu.memory_space<vmem>>, vector<1x640xf32>,
      %get3A_119 = arith.constant 0 : index
      %get3A_120 = arith.constant 0 : index
      %get3A_121 = vector.load %arg9[%get3A_119, %get3A_120] : memref<1x640xf32, #tpu.memory_space<vmem>>, vector<1x640xf32>
      %add3A_122 = arith.addf %get3A_121, %broadcast_in_dim3A_91 : vector<1x640xf32>
      %swap3A_123 = arith.constant 0 : index
      %swap3A_124 = arith.constant 0 : index
      %swap3A_125 = vector.load %arg9[%swap3A_123, %swap3A_124] : memref<1x640xf32, #tpu.memory_space<vmem>>, vector<1x640xf32>
      tpu.vector_store %arg9[%swap3A_123, %swap3A_124], %add3A_122 {strides = array<i32>} : memref<1x640xf32, #tpu.memory_space<vmem>>, vector<1x640xf32>,
    } else {
    }
    %eq3A_107 = arith.constant 3 : i32
    %eq3A_108 = arith.cmpi eq, %arg0, %eq3A_107 : i32
    %convert_element_type3A_109 = arith.extui %eq3A_108 : i1 to i32
    %cond3A_110 = arith.constant 0 : i32
    %cond3A_111 = arith.cmpi ne, %convert_element_type3A_109, %cond3A_110 : i32
    scf.if %cond3A_111 {
      %iota3A_112 = tpu.iota {dimensions = array<i32: 1>} : vector<1x640xi32>
      %lt3A_113 = arith.constant 320 : i32
      %lt3A_114 = vector.broadcast %lt3A_113 : i32 to vector<1x640xi32>
      %lt3A_115 = arith.cmpi slt, %iota3A_112, %lt3A_114 : vector<1x640xi32>
      %get3A_116 = arith.constant 0 : index
      %get3A_117 = arith.constant 0 : index
      %get3A_118 = vector.load %arg8[%get3A_116, %get3A_117] : memref<1x640xf32, #tpu.memory_space<vmem>>, vector<1x640xf32>
      %mul3A_119 = arith.constant 1.22070313E-4 : f32
      %mul3A_120 = vector.broadcast %mul3A_119 : f32 to vector<1x640xf32>
      %mul3A_121 = arith.mulf %get3A_118, %mul3A_120 : vector<1x640xf32>
      %add3A_122 = arith.constant 1.000000e-07 : f32
      %add3A_123 = vector.broadcast %add3A_122 : f32 to vector<1x640xf32>
      %add3A_124 = arith.addf %mul3A_121, %add3A_123 : vector<1x640xf32>
      %log3A = math.log %add3A_124 : vector<1x640xf32>
      %mul3A_125 = arith.mulf %mul3A_121, %log3A : vector<1x640xf32>
      %jit3A_126 = arith.constant 0.000000e+00 : f32
      %broadcast_in_dim3A_127 = vector.broadcast %jit3A_126 : f32 to vector<1x640xf32>
      %select_n3A_128 = arith.select %lt3A_115, %mul3A_125, %broadcast_in_dim3A_127 : vector<1x640xi1>, vector<1x640xf32>
      %reduce_sum3A_129 = arith.constant dense<0.000000e+00> : vector<1xf32>
      %reduce_sum3A_130 = vector.multi_reduction <add>, %select_n3A_128, %reduce_sum3A_129 [1] : vector<1x640xf32> to vector<1xf32>
      %broadcast_in_dim3A_131 = vector.shape_cast %reduce_sum3A_130 : vector<1xf32> to vector<1x1xf32>
      %jit3A_132 = arith.constant 0.000000e+00 : f32
      %broadcast_in_dim3A_133 = vector.broadcast %jit3A_132 : f32 to vector<1x640xf32>
      %select_n3A_134 = arith.select %lt3A_115, %broadcast_in_dim3A_133, %mul3A_125 : vector<1x640xi1>, vector<1x640xf32>
      %reduce_sum3A_135 = arith.constant dense<0.000000e+00> : vector<1xf32>
      %reduce_sum3A_136 = vector.multi_reduction <add>, %select_n3A_134, %reduce_sum3A_135 [1] : vector<1x640xf32> to vector<1xf32>
      %broadcast_in_dim3A_137 = vector.shape_cast %reduce_sum3A_136 : vector<1xf32> to vector<1x1xf32>
      %neg3A = arith.constant 0.000000e+00 : f32
      %neg3A_138 = vector.broadcast %neg3A : f32 to vector<1x1xf32>
      %neg3A_139 = arith.subf %neg3A_138, %broadcast_in_dim3A_131 : vector<1x1xf32>
      %exp3A_140 = math.exp %neg3A_139 : vector<1x1xf32>
      %neg3A_141 = arith.constant 0.000000e+00 : f32
      %neg3A_142 = vector.broadcast %neg3A_141 : f32 to vector<1x1xf32>
      %neg3A_143 = arith.subf %neg3A_142, %broadcast_in_dim3A_137 : vector<1x1xf32>
      %exp3A_144 = math.exp %neg3A_143 : vector<1x1xf32>
      %add3A_145 = arith.addf %exp3A_140, %exp3A_144 : vector<1x1xf32>
      %swap3A_146 = arith.constant 0 : index
      %swap3A_147 = arith.constant 0 : index
      %swap3A_148 = vector.load %arg10[%swap3A_146, %swap3A_147] : memref<1x1xf32, #tpu.memory_space<vmem>>, vector<1x1xf32>
      tpu.vector_store %arg10[%swap3A_146, %swap3A_147], %add3A_145 {strides = array<i32>} : memref<1x1xf32, #tpu.memory_space<vmem>>, vector<1x1xf32>,
      %get3A_149 = arith.constant 0 : index
      %get3A_150 = arith.constant 0 : index
      %get3A_151 = vector.load %arg9[%get3A_149, %get3A_150] : memref<1x640xf32, #tpu.memory_space<vmem>>, vector<1x640xf32>
      %mul3A_152 = arith.constant 1.22070313E-4 : f32
      %mul3A_153 = vector.broadcast %mul3A_152 : f32 to vector<1x640xf32>
      %mul3A_154 = arith.mulf %get3A_151, %mul3A_153 : vector<1x640xf32>
      %add3A_155 = arith.constant 1.000000e-07 : f32
      %add3A_156 = vector.broadcast %add3A_155 : f32 to vector<1x640xf32>
      %add3A_157 = arith.addf %mul3A_154, %add3A_156 : vector<1x640xf32>
      %log3A_158 = math.log %add3A_157 : vector<1x640xf32>
      %mul3A_159 = arith.mulf %mul3A_154, %log3A_158 : vector<1x640xf32>
      %jit3A_160 = arith.constant 0.000000e+00 : f32
      %broadcast_in_dim3A_161 = vector.broadcast %jit3A_160 : f32 to vector<1x640xf32>
      %select_n3A_162 = arith.select %lt3A_115, %mul3A_159, %broadcast_in_dim3A_161 : vector<1x640xi1>, vector<1x640xf32>
      %reduce_sum3A_163 = arith.constant dense<0.000000e+00> : vector<1xf32>
      %reduce_sum3A_164 = vector.multi_reduction <add>, %select_n3A_162, %reduce_sum3A_163 [1] : vector<1x640xf32> to vector<1xf32>
      %broadcast_in_dim3A_165 = vector.shape_cast %reduce_sum3A_164 : vector<1xf32> to vector<1x1xf32>
      %jit3A_166 = arith.constant 0.000000e+00 : f32
      %broadcast_in_dim3A_167 = vector.broadcast %jit3A_166 : f32 to vector<1x640xf32>
      %select_n3A_168 = arith.select %lt3A_115, %broadcast_in_dim3A_167, %mul3A_159 : vector<1x640xi1>, vector<1x640xf32>
      %reduce_sum3A_169 = arith.constant dense<0.000000e+00> : vector<1xf32>
      %reduce_sum3A_170 = vector.multi_reduction <add>, %select_n3A_168, %reduce_sum3A_169 [1] : vector<1x640xf32> to vector<1xf32>
      %broadcast_in_dim3A_171 = vector.shape_cast %reduce_sum3A_170 : vector<1xf32> to vector<1x1xf32>
      %neg3A_172 = arith.constant 0.000000e+00 : f32
      %neg3A_173 = vector.broadcast %neg3A_172 : f32 to vector<1x1xf32>
      %neg3A_174 = arith.subf %neg3A_173, %broadcast_in_dim3A_165 : vector<1x1xf32>
      %exp3A_175 = math.exp %neg3A_174 : vector<1x1xf32>
      %neg3A_176 = arith.constant 0.000000e+00 : f32
      %neg3A_177 = vector.broadcast %neg3A_176 : f32 to vector<1x1xf32>
      %neg3A_178 = arith.subf %neg3A_177, %broadcast_in_dim3A_171 : vector<1x1xf32>
      %exp3A_179 = math.exp %neg3A_178 : vector<1x1xf32>
      %add3A_180 = arith.addf %exp3A_175, %exp3A_179 : vector<1x1xf32>
      %swap3A_181 = arith.constant 0 : index
      %swap3A_182 = arith.constant 0 : index
      %swap3A_183 = vector.load %arg11[%swap3A_181, %swap3A_182] : memref<1x1xf32, #tpu.memory_space<vmem>>, vector<1x1xf32>
      tpu.vector_store %arg11[%swap3A_181, %swap3A_182], %add3A_180 {strides = array<i32>} : memref<1x1xf32, #tpu.memory_space<vmem>>, vector<1x1xf32>,
    } else {
    }
    return
  }
  func.func @transform_0(%arg0: i32) -> (i32, i32) {
    %mul3A = arith.constant 4 : i32
    %mul3A_0 = arith.muli %mul3A, %arg0 : i32
    %c0_i32 = arith.constant 0 : i32
    %c0_i32_1 = arith.constant 0 : i32
    return %mul3A_0, %c0_i32 : i32, i32
  }
  func.func @transform_1(%arg0: i32) -> (i32, i32) {
    %mul3A = arith.constant 4 : i32
    %mul3A_0 = arith.muli %mul3A, %arg0 : i32
    %add3A = arith.constant 1 : i32
    %add3A_1 = arith.addi %mul3A_0, %add3A : i32
    %c0_i32 = arith.constant 0 : i32
    %c0_i32_2 = arith.constant 0 : i32
    return %add3A_1, %c0_i32 : i32, i32
  }
  func.func @transform_2(%arg0: i32) -> (i32, i32) {
    %mul3A = arith.constant 4 : i32
    %mul3A_0 = arith.muli %mul3A, %arg0 : i32
    %add3A = arith.constant 2 : i32
    %add3A_1 = arith.addi %mul3A_0, %add3A : i32
    %c0_i32 = arith.constant 0 : i32
    %c0_i32_2 = arith.constant 0 : i32
    return %add3A_1, %c0_i32 : i32, i32
  }
  func.func @transform_3(%arg0: i32) -> (i32, i32) {
    %mul3A = arith.constant 4 : i32
    %mul3A_0 = arith.muli %mul3A, %arg0 : i32
    %add3A = arith.constant 3 : i32
    %add3A_1 = arith.addi %mul3A_0, %add3A : i32
    %c0_i32 = arith.constant 0 : i32
    %c0_i32_2 = arith.constant 0 : i32
    return %add3A_1, %c0_i32 : i32, i32
  }
  func.func @transform_4(%arg0: i32) -> (i32, i32) {
    %c0_i32 = arith.constant 0 : i32
    %c0_i32_0 = arith.constant 0 : i32
    %c0_i32_1 = arith.constant 0 : i32
    return %c0_i32, %c0_i32_0 : i32, i32
  }
  func.func @transform_5(%arg0: i32) -> i32 {
    %c0_i32 = arith.constant 0 : i32
    %c0_i32_0 = arith.constant 0 : i32
    return %c0_i32 : i32
  }
  func.func @transform_6(%arg0: i32) -> (i32, i32, i32) {
    %c0_i32 = arith.constant 0 : i32
    %c0_i32_0 = arith.constant 0 : i32
    %c0_i32_1 = arith.constant 0 : i32
    return %arg0, %c0_i32, %c0_i32_0 : i32, i32, i32
  }
  func.func @transform_7(%arg0: i32) -> (i32, i32) {
    %c0_i32 = arith.constant 0 : i32
    %c0_i32_0 = arith.constant 0 : i32
    %c0_i32_1 = arith.constant 0 : i32
    return %c0_i32, %c0_i32_0 : i32, i32
  }
  func.func @transform_8(%arg0: i32) -> (i32, i32) {
    %c0_i32 = arith.constant 0 : i32
    %c0_i32_0 = arith.constant 0 : i32
    %c0_i32_1 = arith.constant 0 : i32
    return %c0_i32, %c0_i32_0 : i32, i32
  }
  func.func @transform_9(%arg0: i32) -> (i32, i32) {
    %c0_i32 = arith.constant 0 : i32
    %c0_i32_0 = arith.constant 0 : i32
    %c0_i32_1 = arith.constant 0 : i32
    return %c0_i32, %c0_i32_0 : i32, i32
  }
  func.func @transform_10(%arg0: i32) -> (i32, i32) {
    %c0_i32 = arith.constant 0 : i32
    %c0_i32_0 = arith.constant 0 : i32
    %c0_i32_1 = arith.constant 0 : i32
    return %c0_i32, %c0_i32_0 : i32, i32
  }
}

</mosaic_0001>

<sc_bundles>
// kernel: kernel.4.cloned.1.call-start
scs
__scs_entry_jumppad:
0x0: {  	(pc) =	sbr.rel $0x88, $3  }
0x1: {  	(tag) =	ssettag $0x0;
	lr =	simm.s32 $0x1  }
0x2: {  	[smem:$0x3F9D] =	sst lr;
	_ =	strace $0xD0000000  }
0x3: {  	_ = 	snop  }
0x4: {  	_ = 	snop  }
0x5: {  	_ = 	snop  }
0x6: {  	_ = 	snop  }
0x7: {  	_ = 	snop  }
__scs_overlays_trampoline_lowered:
0x8: {  	[smem:$0x3FAC] =	sst s0  }
0x9: {  	[smem:$0x3FAD] =	sst s1  }
0xa: {  	[smem:$0x3FAE] =	sst s2  }
0xb: {  	[smem:$0x3FAF] =	sst s3  }
0xc: {  	[smem:$0x3FB0] =	sst s4  }
0xd: {  	[smem:$0x3FB1] =	sst s5  }
0xe: {  	[smem:$0x3FB2] =	sst s6  }
0xf: {  	[smem:$0x3FB3] =	sst s7  }
0x10: {  	[smem:$0x3FB4] =	sst s8  }
0x11: {  	[smem:$0x3FB5] =	sst s9;
	s0 =	simm.s32 @!p0 $0x0  }
0x12: {  	s1 =	sld [smem:$0x3F9B];
	s0 =	simm.s32 @p0 $0x1  }
0x13: {  	[smem:$0x3FB6] =	sst s0;
	s0 =	simm.s32 @!p1 $0x0  }
0x14: {  	s2 =	sld [smem:$0x3F9A];
	s0 =	simm.s32 @p1 $0x1  }
0x15: {  	[smem:$0x3FB7] =	sst s0;
	s0 =	simm.s32 @!p2 $0x0  }
0x16: {  	s3 =	sld [smem:$0x3FDB];
	s0 =	simm.s32 @p2 $0x1  }
0x17: {  	s4 =	simm.s32 $0x1BF5;
	[smem:$0x3FB9] =	sst s0  }
0x18: {  	s0 =	sld [smem:$0x3F9C];
	_ =	swait.ge [sflag:s4], $0x0  }
0x19: {  	s7 =	sld [smem:$0x3F9D]  }
0x1a: {  	s8 =	sadd.s32 $0xFFFFE003, lr  }
0x1b: {  	s9 =	sadd.s32 $0xFFFFFEF7, lr;
	s5 =	simm.s32 $0xFFFFFFFF;
	p2 =	slt.u32 s8, $0xFFFFF086  }
0x1c: {  	p1 =	slt.u32 s9, $0xF7A;
	s5 =	simm.s32 @!p2 $0x0  }
0x1d: {  	s5 =	simm.s32 @p1 $0x1;
	p0 =	seq.s32 s7, s2  }
0x1e: {  	s7 =	smul.u32 @!p0 $0xF7A, s2;
	p2 =	seq.s32 @!p0 s5, $0x0  }
0x1f: {  	s9 =	smul.u32 $0xF7A, s1;
	s8 =	simm.s32 @!p0 $0x1BF5;
	p2 =	por !p2, p0  }
0x20: {  	[sflag:s8] =	ssyncset.s32 @!p0 $0xFFFFF086;
	s6 =	sadd.s32 @!p0 s3, s7;
	s7 =	simm.s32 @!p0 $0x108  }
0x21: {  	s3 =	sadd.s32 s3, s9;
	s6 =	sadd.s32 @!p0 $0x88, s6;
	s7 =	simm.s32 @p2 $0x1082  }
0x22: {  	[simem:s7], [sflag:s8] =	dma.local @!p0 [hbm:s6], $0xF7A  }
0x23: {  	s9 =	sor.u32 $0xD0000000, s2;
	s6 =	simm.s32 $0x108;
	_ =	swait.ge @!p0 [sflag:s8], $0x0  }
0x24: {  	s3 =	sadd.s32 $0x88, s3;
	s6 =	simm.s32 @!p1 $0x1082;
	[sflag:s4] =	ssyncset.s32 $0xFFFFF086  }
0x25: {  	[simem:s6], [sflag:s4] =	dma.local [hbm:s3], $0xF7A  }
0x26: {  	[smem:$0x3F9D] =	sst s1;
	(tag) =	ssettag s2;
	_ =	strace s9  }
0x27: {  	s1 =	sld [smem:$0x3FAD]  }
0x28: {  	s2 =	sld [smem:$0x3FAE]  }
0x29: {  	s4 =	sld [smem:$0x3FB0]  }
0x2a: {  	p0 =	seq.s32 s5, $0x0;
	s5 =	sld [smem:$0x3FB1]  }
0x2b: {  	s6 =	sld [smem:$0x3FB2]  }
0x2c: {  	s7 =	sld [smem:$0x3FB3]  }
0x2d: {  	s3 =	simm.s32 $0x108;
	s8 =	sld [smem:$0x3FB4]  }
0x2e: {  	s3 =	simm.s32 @!p0 $0x1082;
	s9 =	sld [smem:$0x3FB5]  }
0x2f: {  	lr =	sadd.s32 s0, s3;
	s0 =	sld [smem:$0x3FAC]  }
0x30: {  	s3 =	sld [smem:$0x3FAF]  }
0x31: {  	[smem:$0x3FB8] =	sst s10  }
0x32: {  	s10 =	sld [smem:$0x3FB6];
	_ =	sdelay $0x3  }
0x33: {  	p0 =	seq.s32 s10, $0x1;
	s10 =	sld [smem:$0x3FB8];
	_ =	sdelay $0x3  }
0x34: {  	[smem:$0x3FB8] =	sst s10  }
0x35: {  	s10 =	sld [smem:$0x3FB7];
	_ =	sdelay $0x3  }
0x36: {  	p1 =	seq.s32 s10, $0x1;
	s10 =	sld [smem:$0x3FB8];
	_ =	sdelay $0x3  }
0x37: {  	[smem:$0x3FB8] =	sst s10  }
0x38: {  	s10 =	sld [smem:$0x3FB9]  }
0x39: {  	_ = 	snop;
	(pc) =	sbr.ind lr, $3  }
0x3a: {  	_ = 	snop  }
0x3b: {  	_ = 	snop  }
0x3c: {  	p2 =	seq.s32 s10, $0x1;
	s10 =	sld [smem:$0x3FB8]  }
0x3d: {  	_ =	shalt  }
0x3e: {  	_ =	shalt  }
0x3f: {  	_ =	shalt  }
0x40: {  	_ =	shalt  }
0x41: {  	_ =	shalt  }
0x42: {  	_ =	shalt  }
0x43: {  	_ =	shalt  }
0x44: {  	_ =	shalt  }
0x45: {  	_ =	shalt  }
0x46: {  	_ =	shalt  }
0x47: {  	_ =	shalt  }
0x48: {  	_ =	shalt  }
0x49: {  	_ =	shalt  }
0x4a: {  	_ =	shalt  }
0x4b: {  	_ =	shalt  }
0x4c: {  	_ =	shalt  }
0x4d: {  	_ =	shalt  }
0x4e: {  	_ =	shalt  }
0x4f: {  	_ =	shalt  }
0x50: {  	_ =	shalt  }
0x51: {  	_ =	shalt  }
0x52: {  	_ =	shalt  }
0x53: {  	_ =	shalt  }
0x54: {  	_ =	shalt  }
0x55: {  	_ =	shalt  }
0x56: {  	_ =	shalt  }
0x57: {  	_ =	shalt  }
0x58: {  	_ =	shalt  }
0x59: {  	_ =	shalt  }
0x5a: {  	_ =	shalt  }
0x5b: {  	_ =	shalt  }
0x5c: {  	_ =	shalt  }
0x5d: {  	_ =	shalt  }
0x5e: {  	_ =	shalt  }
0x5f: {  	_ =	shalt  }
0x60: {  	_ =	shalt  }
0x61: {  	_ =	shalt  }
0x62: {  	_ =	shalt  }
0x63: {  	_ =	shalt  }
0x64: {  	_ =	shalt  }
0x65: {  	_ =	shalt  }
0x66: {  	_ =	shalt  }
0x67: {  	_ =	shalt  }
0x68: {  	_ =	shalt  }
0x69: {  	_ =	shalt  }
0x6a: {  	_ =	shalt  }
0x6b: {  	_ =	shalt  }
0x6c: {  	_ =	shalt  }
0x6d: {  	_ =	shalt  }
0x6e: {  	_ =	shalt  }
0x6f: {  	_ =	shalt  }
0x70: {  	_ =	shalt  }
0x71: {  	_ =	shalt  }
0x72: {  	_ =	shalt  }
0x73: {  	_ =	shalt  }
0x74: {  	_ =	shalt  }
0x75: {  	_ =	shalt  }
0x76: {  	_ =	shalt  }
0x77: {  	_ =	shalt  }
0x78: {  	_ =	shalt  }
0x79: {  	_ =	shalt  }
0x7a: {  	_ =	shalt  }
0x7b: {  	_ =	shalt  }
0x7c: {  	_ =	shalt  }
0x7d: {  	_ =	shalt  }
0x7e: {  	_ =	shalt  }
0x7f: {  	_ =	shalt  }
0x80: {  	_ =	shalt  }
0x81: {  	_ =	shalt  }
0x82: {  	_ =	shalt  }
0x83: {  	_ =	shalt  }
0x84: {  	_ =	shalt  }
0x85: {  	_ =	shalt  }
0x86: {  	_ =	shalt  }
0x87: {  	_ =	shalt  }
.Lfunc_end0:
.L_simem_size_0:
called_computation_lowered:
.L_overlay_start_0:
0x88: {  	s2 =	sld [smem:$0x3FD9]  }
0x89: {  	s3 =	sld [smem:$0x3FFE];
	_ =	sdelay $0x1  }
0x8a: {  	s1 =	srdreg.scid  }
0x8b: {  	s0 =	sand.u32 $0x1, s1  }
0x8c: {  	s14 =	sshll.u32 s0, $0xA;
	s2 =	sadd.s32 s3, s2  }
0x8d: {  	s2 =	sadd.s32 s2, s14  }
0x8e: {  	[smem:$0x3FC4] =	sst s2  }
0x8f: {  	_ = 	snop  }
0x90: {  	s2 =	sld [smem:$0x3FD0];
	_ =	sdelay $0x2  }
0x91: {  	s4 =	simm.s32 $0xA;
	s5 =	simm.s32 $0x10;
	s15 =	sld [smem:$0x3FC6]  }
0x92: {  	[smem:s5], [sflag:s4] =	dma.local [hbm:s2], $0x1  }
0x93: {  	_ =	swait.eq [sflag:s4], $0x1  }
0x94: {  	[sflag:s4] =	ssyncset.done $0x0  }
0x95: {  	[sflag:s4] =	ssyncadd.s32 $0xFFFFFFFF  }
0x96: {  	s16 =	sld [smem:$0x10];
	(tm) =	ssettm $0x1  }
0x97: {  	s17 =	sld [smem:$0x3FFB];
	_ =	sdelay $0x3  }
0x98: {  	_ =	strace s17  }
0x99: {  	s4 =	sld [smem:$0x3FFC];
	_ =	sdelay $0x3  }
0x9a: {  	_ =	strace s4  }
0x9b: {  	s4 =	sld [smem:$0x3FFD];
	_ =	sdelay $0x3  }
0x9c: {  	_ =	strace s4  }
0x9d: {  	_ =	strace $0x8FFFFFFF  }
0x9e: {  	s18 =	sld [smem:$0x3FDB];
	_ =	sdelay $0x1  }
0x9f: {  	s19 =	simm.s32 $_scs_section_size  }
0xa0: {  	s6 =	simm.s32 $_size__tile_overlayer_lowered;
	s7 =	simm.s32 $_tile_overlayer_lowered  }
0xa1: {  	s22 =	simm.s32 $0x1BFF;
	s21 =	sshll.u32 s7, $0x1;
	s4 =	sadd.s32 s19, s18  }
0xa2: {  	s8 =	simm.s32 $0x0;
	s20 =	sshll.u32 s6, $0x1;
	s6 =	sadd.s32 s21, s4  }
0xa3: {  	[timem:s8], [sflag:s22] =	dma.local [hbm:s6], s20  }
0xa4: {  	_ =	swait.ge [sflag:s22], s20  }
0xa5: {  	s5 =	ssub.s32 $0x0, s20;
	[sflag:s22] =	ssyncset.done $0x0  }
0xa6: {  	[sflag:s22] =	ssyncadd.s32 s5;
	_ =	sdelay $0x1  }
0xa7: {  	s23 =	simm.s32 $0x1B8B  }
0xa8: {  	_ =	swait.ge [sflag:s23], $0x1  }
0xa9: {  	[sflag:s23] =	ssyncset.done $0x0  }
0xaa: {  	s25 =	simm.s32 $0x1B8E;
	s24 =	sld [smem:$0x3FFE];
	[sflag:s23] =	ssyncadd.s32 $0xFFFFFFFF  }
0xab: {  	s26 =	simm.s32 $execute0_lowered;
	[smem:$0x3FD2] =	sst s25  }
0xac: {  	s6 =	sshll.u32 s26, $0x1;
	_ =	strace $0x80000046;
	[dreg:$0x1] =	wrdreg $0xFFFFFFFF  }
0xad: {  	s28 =	simm.s32 $_size_execute0_lowered;
	s4 =	sadd.s32 s4, s6;
	[dreg:$0x0] =	wrdreg $0x0  }
0xae: {  	s6 =	sshll.u32 s28, $0x1;
	[dreg:$0x2] =	wrdreg s4  }
0xaf: {  	[dreg:$0x3] =	wrdreg s6  }
0xb0: {  	[dreg:$0x4] =	wrdreg $0xC0  }
0xb1: {  	_ =	task [dreg:s8], $0x5FFFF  }
0xb2: {  	[dreg:$0x1] =	wrdreg $0xFFFFFFFF  }
0xb3: {  	[dreg:$0x0] =	wrdreg $0x60  }
0xb4: {  	[dreg:$0x2] =	wrdreg s15  }
0xb5: {  	[dreg:$0x3] =	wrdreg s24  }
0xb6: {  	[dreg:$0x4] =	wrdreg s16  }
0xb7: {  	[dreg:$0x5] =	wrdreg $0x9  }
0xb8: {  	_ =	task.clear_ibuf [dreg:s8], $0x6FFFF;
	_ =	strace $0x90000046  }
0xb9: {  	s29 =	simm.s32 $0x9;
	_ =	strace $0x80000048  }
0xba: {  	_ =	swait.ge [sflag:s29], $0x1  }
0xbb: {  	[sflag:s29] =	ssyncadd.s32 $0xFFFFFFFF  }
0xbc: {  	_ =	strace $0x90000048  }
0xbd: {  	_ =	sfence  }
0xbe: {  	s30 =	sld [smem:$0x0];
	_ =	sdelay $0x2  }
0xbf: {  	s31 =	sshll.u32 s1, $0xD;
	s1 =	sshrl.u32 s1, $0x2  }
0xc0: {  	s3 =	sand.u32 $0x4000, s31;
	s1 =	sadd.s32 s1, s30  }
0xc1: {  	s0 =	sor.u32 s3, s0;
	s1 =	sshll.u32 s1, $0x11  }
0xc2: {  	s0 =	sor.u32 s1, s0  }
0xc3: {  	s0 =	sadd.s32 $0x8F2B, s0  }
0xc4: {  	[sflag:s0] =	ssyncadd.remote.s32 $0x1  }
0xc5: {  	_ =	sfence.sel $0xFFFF  }
0xc6: {  	[dreg:$0x0] =	wrdreg $0xFFFFFFFF;
	(pc) =	sbr.abs _section_cstart, $3  }
0xc7: {  	[dreg:$0x1] =	wrdreg $0xFFFFFFFF  }
0xc8: {  	_ =	task.clear_ibuf [dreg:s8], $0x2FFFF;
	_ =	strace $0x9FFFFFFF  }
0xc9: {  	(tm) =	ssettm $0x7FFFFFFF  }
tec
execute0_lowered:
.L_overlay_start_1:
0x0: {  	(tag) =	ssettag $0x1  }
0x1: {  	s1 =	srdreg.scid;
	s0 =	stileid.u32  }
0x2: {  	s16 =	sand.u32 $0x1, s1;
	s28 =	sshll.u32 s0, $0x1  }
0x3: {  	s17 =	sor.u32 s16, s28  }
0x4: {  	p1 =	seq.s32 s16, $0x1;
	p0 =	seq.s32 s17, $0x0  }
0x5: {  	p0 =	por !p0, !p1  }
0x6: {  	s1 =	simm.s32 $0x1;
	p0 =	por !p0, !p0  }
0x7: {  	s2 =	rddreg [dreg:$0x0];
	s1 =	simm.s32 @!p0 $0x0  }
0x8: {  	s4 =	rddreg [dreg:$0x1];
	s1 =	ssub.s32 s0, s1  }
0x9: {  	s18 =	rddreg [dreg:$0x2];
	s3 =	simm.s32 $0x0;
	s5 =	sshll.u32 s1, $0x7  }
0xa: {  	[smem:$0x7FF] =	sst s3;
	s5 =	sand.u32 $0x1FFFFF80, s5  }
0xb: {  	s1 =	rddreg [dreg:$0x3];
	s4 =	sadd.s32 s5, s4  }
0xc: {  	_ =	strace $0x80000047;
	s5 =	sadd.s32 $0xC00, s4;
	s4 =	simm.s32 $0x2  }
0xd: {  	[tilespmem:s3], [sflag:$0x2] =	stream.linear.gather [hbm4b:s5+s3], $0x400, $0x38;
	[tilespmem:$0x10400] =	vst v63  }
0xe: {  	_ =	swait.ge [sflag:s4], $0x400  }
0xf: {  	s7 =	simm.s32 $0x80;
	[sflag:s4] =	ssyncset.done $0x0  }
0x10: {  	s8 =	simm.s32 $0x400;
	s6 =	sshll.u32 s16, $0x9;
	[sflag:s4] =	ssyncadd.s32 $0xFFFFFC00  }
0x11: {  	[tilespmem:s8], [sflag:$0x1] =	stream.indirect.gather [hbm4b:s2+s7], $0x80, s6, s7, $0xb8;
	[tilespmem:$0x10400] =	vst v63  }
0x12: {  	s10 =	simm.s32 $0x4400;
	s9 =	sor.u32 $0x80, s6  }
0x13: {  	[tilespmem:s10], [sflag:$0x1] =	stream.indirect.gather [hbm4b:s2+s7], $0x80, s9, s7, $0xb8;
	[tilespmem:$0x10400] =	vst v63  }
0x14: {  	s12 =	simm.s32 $0x8400;
	s11 =	sor.u32 $0x100, s6  }
0x15: {  	[tilespmem:s12], [sflag:$0x1] =	stream.indirect.gather [hbm4b:s2+s7], $0x80, s11, s7, $0xb8;
	[tilespmem:$0x10400] =	vst v63  }
0x16: {  	s13 =	simm.s32 $0x1;
	s15 =	simm.s32 $0xC400;
	s14 =	sor.u32 $0x180, s6  }
0x17: {  	[tilespmem:s15], [sflag:$0x1] =	stream.indirect.gather [hbm4b:s2+s7], $0x80, s14, s7, $0xb8;
	[tilespmem:$0x10400] =	vst v63  }
0x18: {  	_ =	swait.ge [sflag:s13], $0x4000  }
0x19: {  	[sflag:s13] =	ssyncset.done $0x0  }
0x1a: {  	s19 =	sshll.u32 s0, $0xE;
	[sflag:s13] =	ssyncadd.s32 $0xFFFFC000  }
0x1b: {  	s29 =	sshll.u32 s0, $0x6;
	s19 =	sand.u32 $0x30000, s19;
	_ =	swait.ge [sflag:s13], $0x4000  }
0x1c: {  	s16 =	ssub.s32 $0x2, s16;
	s17 =	sshll.u32 s17, $0xE;
	[sflag:s13] =	ssyncset.done $0x0  }
0x1d: {  	s30 =	sshrl.u32 s16, $0x1;
	s17 =	sand.u32 $0xC000, s17;
	[sflag:s13] =	ssyncadd.s32 $0xFFFFC000  }
0x1e: {  	s17 =	sor.u32 s17, s19;
	s19 =	sand.u32 $0x80, s29;
	_ =	swait.ge [sflag:s13], $0x4000  }
0x1f: {  	s18 =	sadd.s32 s18, s19;
	s19 =	ssub.s32 s16, s30;
	[sflag:s13] =	ssyncset.done $0x0  }
0x20: {  	s31 =	smax.u32 s19, $0x1;
	[sflag:s13] =	ssyncadd.s32 $0xFFFFC000  }
0x21: {  	p0 =	sne.s32 s31, $0x1;
	_ =	swait.ge [sflag:s13], $0x4000  }
.Ltmp0:
0x22: {  	[sflag:s13] =	ssyncset.done $0x0;
	(pc) =	sbr.rel @!p0 .LBB2_2-.Ltmp0, $4  }
0x23: {  	s16 =	sadd.s32 s17, s18;
	s17 =	simm.s32 $0x800;
	[sflag:s13] =	ssyncadd.s32 $0xFFFFC000  }
0x24: {  	[hbm4b:s16+s8] =	stream.strided.scatter [tilespmem:s8], [sflag:$0x2], $0x10000, s17, s8, $0x38;
	[tilespmem:$0x10400] =	vst v63  }
0x25: {  	_ =	swait.ge [sflag:s4], $0x10000  }
0x26: {  	s18 =	sadd.s32 $0xFFFFFFFF, s31;
	[sflag:s4] =	ssyncset.done $0x0  }
.LBB2_1:
0x27: {  	p0 =	sne.s32 s18, $0x1;
	s18 =	sadd.s32 $0xFFFFFFFF, s18;
	[sflag:s4] =	ssyncadd.s32 $0xFFFF0000  }
0x28: {  	[tilespmem:s3], [sflag:$0x2] =	stream.linear.gather [hbm4b:s5+s3], $0x400, $0x38;
	[tilespmem:$0x10400] =	vst v63  }
0x29: {  	_ =	swait.ge [sflag:s4], $0x400  }
0x2a: {  	[sflag:s4] =	ssyncset.done $0x0  }
0x2b: {  	[sflag:s4] =	ssyncadd.s32 $0xFFFFFC00  }
0x2c: {  	[tilespmem:s8], [sflag:$0x1] =	stream.indirect.gather [hbm4b:s2+s7], $0x80, s6, s7, $0xb8;
	[tilespmem:$0x10400] =	vst v63  }
0x2d: {  	_ = 	snop  }
0x2e: {  	[tilespmem:s10], [sflag:$0x1] =	stream.indirect.gather [hbm4b:s2+s7], $0x80, s9, s7, $0xb8;
	[tilespmem:$0x10400] =	vst v63  }
0x2f: {  	_ = 	snop  }
0x30: {  	[tilespmem:s12], [sflag:$0x1] =	stream.indirect.gather [hbm4b:s2+s7], $0x80, s11, s7, $0xb8;
	[tilespmem:$0x10400] =	vst v63  }
0x31: {  	_ = 	snop  }
0x32: {  	[tilespmem:s15], [sflag:$0x1] =	stream.indirect.gather [hbm4b:s2+s7], $0x80, s14, s7, $0xb8;
	[tilespmem:$0x10400] =	vst v63  }
0x33: {  	_ =	swait.ge [sflag:s13], $0x4000  }
0x34: {  	[sflag:s13] =	ssyncset.done $0x0  }
0x35: {  	[sflag:s13] =	ssyncadd.s32 $0xFFFFC000  }
0x36: {  	_ =	swait.ge [sflag:s13], $0x4000  }
0x37: {  	[sflag:s13] =	ssyncset.done $0x0  }
0x38: {  	[sflag:s13] =	ssyncadd.s32 $0xFFFFC000  }
0x39: {  	_ =	swait.ge [sflag:s13], $0x4000  }
0x3a: {  	[sflag:s13] =	ssyncset.done $0x0  }
0x3b: {  	[sflag:s13] =	ssyncadd.s32 $0xFFFFC000  }
0x3c: {  	_ =	swait.ge [sflag:s13], $0x4000  }
.Ltmp1:
0x3d: {  	[sflag:s13] =	ssyncset.done $0x0;
	(pc) =	sbr.rel @p0 .LBB2_1-.Ltmp1, $4  }
0x3e: {  	[sflag:s13] =	ssyncadd.s32 $0xFFFFC000  }
0x3f: {  	[hbm4b:s16+s8] =	stream.strided.scatter [tilespmem:s8], [sflag:$0x2], $0x10000, s17, s8, $0x38;
	[tilespmem:$0x10400] =	vst v63  }
0x40: {  	_ =	swait.ge [sflag:s4], $0x10000  }
0x41: {  	[sflag:s4] =	ssyncset.done $0x0  }
.LBB2_2:
0x42: {  	[sflag:s4] =	ssyncadd.s32 $0xFFFF0000  }
0x43: {  	_ =	sfence.sel $0x180000  }
0x44: {  	[bflag:$0x0] =	sbarrier.arrive $0xFFFF  }
0x45: {  	p0 =	sne.s32 s0, $0x0;
	_ =	strace $0x90000047  }
0x46: {  	s0 =	sadd.s32 @!p0 $0x100000, s1;
	[bflag:$0x2] =	sbarrier.arrive $0xFFFF  }
0x47: {  	[sflag:s0] =	ssyncadd.tile.s32 @!p0 $0x1;
	_ =	shalt  }
.Lfunc_end2:
_tile_overlayer_lowered:
.L_overlay_start_2:
0x48: {  	(tag) =	ssettag $0x2  }
0x49: {  	s0 =	rddreg [dreg:$0x0];
	s2 =	stileid.u32  }
0x4a: {  	s1 =	rddreg [dreg:$0x1];
	p0 =	sne.s32 s2, $0x0  }
0x4b: {  	s3 =	rddreg [dreg:$0x2];
	[bflag:$0x3] =	sbarrier.arrive $0xFFFF;
	s2 =	simm.s32 @!p0 $0x1C02  }
0x4c: {  	[timem:s3], [sflag:s2] =	dma.local @!p0 [hbm:s0], s1  }
0x4d: {  	s0 =	simm.s32 @!p0 $0x2  }
0x4e: {  	_ =	swait.ge @!p0 [sflag:s0], s1  }
0x4f: {  	s1 =	ssub.s32 @!p0 $0x0, s1;
	[sflag:s0] =	ssyncset.done @!p0 $0x0  }
0x50: {  	[sflag:s0] =	ssyncadd.s32 @!p0 s1  }
0x51: {  	[bflag:$0x3] =	sbarrier.arrive $0xFFFF  }
0x52: {  	_ =	shalt  }

</sc_bundles>
